<compile_context>
chip_gen: v7x
topology: tpu7x:2x2x1
jax: 0.10.2.dev20260603
libtpu: 0.0.44.dev20260713+nightly
codegen_flags: <defaults>
</compile_context>

<pallas_src>
import functools

import jax
import jax.numpy as jnp
from jax import lax
from jax.experimental import pallas as pl
from jax.experimental.pallas import tpu as pltpu
from jax.experimental.pallas import tpu_sc as plsc

NN = 10000
NP = 10240
NC = 2
NS = 16
NW = NC * NS
RPW = NP // NW
EE = 160000
CHP = 1024
EP = -(-(EE + NW * CHP) // 512) * 512
EPW = EP // NW


def _norm_body(rows_hbm, cols_hbm, w_hbm, dis_hbm, norm_hbm,
               rbuf, cbuf, wbuf, disfull, nbuf):
    w = lax.axis_index("s") * NC + lax.axis_index("c")
    t0 = w * EPW
    pltpu.sync_copy(rows_hbm.at[pl.ds(t0, EPW)], rbuf)
    pltpu.sync_copy(cols_hbm.at[pl.ds(t0, EPW)], cbuf)
    pltpu.sync_copy(w_hbm.at[pl.ds(t0, EPW)], wbuf)
    pltpu.sync_copy(dis_hbm, disfull)

    def nmbody(g, _):
        rv = rbuf[pl.ds(g * 16, 16)]
        cv = cbuf[pl.ds(g * 16, 16)]
        wv = wbuf[pl.ds(g * 16, 16)]
        wm = jnp.where(rv == cv, 0.0, wv)
        dr = plsc.load_gather(disfull, [rv])
        dc = plsc.load_gather(disfull, [cv])
        nbuf[pl.ds(g * 16, 16)] = -((dr * wm) * dc)
        return 0
    lax.fori_loop(0, EPW // 16, nmbody, 0)
    pltpu.sync_copy(nbuf, norm_hbm.at[pl.ds(t0, EPW)])


@functools.cache
def _norm_kernel():
    mesh = plsc.VectorSubcoreMesh(core_axis_name="c", subcore_axis_name="s")
    return jax.jit(pl.kernel(
        _norm_body,
        out_type=jax.ShapeDtypeStruct((EP,), jnp.float32),
        mesh=mesh,
        scratch_types=[
            pltpu.VMEM((EPW,), jnp.int32),
            pltpu.VMEM((EPW,), jnp.int32),
            pltpu.VMEM((EPW,), jnp.float32),
            pltpu.VMEM((NP,), jnp.float32),
            pltpu.VMEM((EPW,), jnp.float32),
        ],
        compiler_params=pltpu.CompilerParams(
            needs_layout_passes=False, use_tc_tiling_on_sc=False),
    ))


def _make_prop_body(fp, beta, has_prev, ch, pb):
    nv = fp // 16
    kch = ch // 128

    def body(*refs):
        t_hbm, rows_hbm, cols_hbm, norm_hbm, prm_hbm = refs[:5]
        i = 5
        prev_hbm = None
        if has_prev:
            prev_hbm = refs[i]; i += 1
        out_hbm = refs[i]; i += 1
        pbuf, rowbuf, colbuf, nbuf, gbuf, acc, gsem = refs[i:i + 7]
        i += 7
        prevbuf = refs[i] if has_prev else None

        w = lax.axis_index("s") * NC + lax.axis_index("c")
        pltpu.sync_copy(prm_hbm.at[w], pbuf)
        pv = pbuf[0, pl.ds(0, 16)]
        estart = pv[0]
        nch = pv[1] * (CHP // ch)

        zero16 = jnp.zeros((16,), jnp.float32)

        def zbody(r, _):
            for v in range(nv):
                acc[r, pl.ds(v * 16, 16)] = zero16
            return 0
        lax.fori_loop(0, RPW, zbody, 0)

        def chunk(c, _):
            base = pl.multiple_of(estart + c * ch, 8)
            cb = (estart >> 7) + c * kch
            for k in range(kch):
                pltpu.sync_copy(rows_hbm.at[cb + k], rowbuf.at[pl.ds(k, 1)])
            pltpu.sync_copy(cols_hbm.at[pl.ds(base, ch)], colbuf)
            pltpu.sync_copy(norm_hbm.at[pl.ds(base, ch)], nbuf)
            handles = []
            for k in range(kch):
                handles.append(pltpu.async_copy(
                    t_hbm.at[rowbuf.at[k]], gbuf.at[pl.ds(k * 128, 128)],
                    gsem))
            for h in handles:
                h.wait()

            def grp(g, _):
                cv = colbuf[pl.ds(g * 16, 16)]
                nvec = nbuf[pl.ds(g * 16, 16)]
                for j in range(16):
                    cj = cv[j]
                    nj = nvec[j]
                    e = g * 16 + j
                    for v in range(nv):
                        val = gbuf[e, pl.ds(v * 16, 16)]
                        acc[cj, pl.ds(v * 16, 16)] = (
                            acc[cj, pl.ds(v * 16, 16)] + val * nj)
                return 0
            lax.fori_loop(0, ch // 16, grp, 0)
            return 0
        lax.fori_loop(0, nch, chunk, 0)

        n0 = w * RPW
        for s in range(RPW // pb if (has_prev or beta != 1.0) else 0):
            if has_prev:
                pltpu.sync_copy(prev_hbm.at[pl.ds(n0 + s * pb, pb)], prevbuf)

            def comb(r, _):
                for v in range(nv):
                    o = acc[s * pb + r, pl.ds(v * 16, 16)]
                    if beta != 1.0:
                        o = o * beta
                    if has_prev:
                        o = o - prevbuf[r, pl.ds(v * 16, 16)]
                    acc[s * pb + r, pl.ds(v * 16, 16)] = o
                return 0
            lax.fori_loop(0, pb, comb, 0)
        pltpu.sync_copy(acc, out_hbm.at[pl.ds(n0, RPW)])

    return body


@functools.cache
def _prop_kernel(fp, beta, has_prev):
    ch = 256 if fp > 32 else 1024
    pb = 80 if fp > 32 else RPW
    scratch = [
        pltpu.VMEM((1, 16), jnp.int32),
        pltpu.VMEM((ch // 128, 128), jnp.int32),
        pltpu.VMEM((ch,), jnp.int32),
        pltpu.VMEM((ch,), jnp.float32),
        pltpu.VMEM((ch, fp), jnp.float32),
        pltpu.VMEM((RPW, fp), jnp.float32),
        pltpu.SemaphoreType.DMA,
    ]
    if has_prev:
        scratch.append(pltpu.VMEM((pb, fp), jnp.float32))
    mesh = plsc.VectorSubcoreMesh(core_axis_name="c", subcore_axis_name="s")
    return jax.jit(pl.kernel(
        _make_prop_body(fp, beta, has_prev, ch, pb),
        out_type=jax.ShapeDtypeStruct((NP, fp), jnp.float32),
        mesh=mesh,
        scratch_types=scratch,
        compiler_params=pltpu.CompilerParams(
            needs_layout_passes=False, use_tc_tiling_on_sc=False),
    ))


def _cheb_mm_body(x_ref, w_ref, o_ref):
    kk = x_ref.shape[0]
    o = jnp.dot(x_ref[0], w_ref[0], preferred_element_type=jnp.float32)
    for k in range(1, kk):
        o = o + jnp.dot(x_ref[k], w_ref[k],
                        preferred_element_type=jnp.float32)
    o_ref[...] = o


def _tc_cheb(stack, wstack, bm):
    kk, m, fi = stack.shape
    fo = wstack.shape[2]
    return pl.pallas_call(
        _cheb_mm_body,
        grid=(m // bm,),
        in_specs=[pl.BlockSpec((kk, bm, fi), lambda i: (0, i, 0)),
                  pl.BlockSpec((kk, fi, fo), lambda i: (0, 0, 0))],
        out_specs=pl.BlockSpec((bm, fo), lambda i: (i, 0)),
        out_shape=jax.ShapeDtypeStruct((m, fo), jnp.float32),
    )(stack, wstack)


def _edge_layout(row, col, weight):
    perm = jnp.argsort(col, stable=True)
    row_s = jnp.take(row, perm)
    col_s = jnp.take(col, perm)
    w_s = jnp.take(weight, perm)
    qb = jnp.arange(NW + 1, dtype=jnp.int32) * RPW
    bnd = jnp.searchsorted(col_s, qb).astype(jnp.int32)
    cnt = bnd[1:] - bnd[:-1]
    nch = (cnt + (CHP - 1)) // CHP
    off = jnp.concatenate([jnp.zeros((1,), jnp.int32),
                           jnp.cumsum(nch * CHP).astype(jnp.int32)])
    ar = jnp.arange(EP, dtype=jnp.int32)
    ws = jnp.clip(jnp.searchsorted(off, ar, side="right").astype(jnp.int32) - 1,
                  0, NW - 1)
    eidx = ar - jnp.take(off, ws) + jnp.take(bnd, ws)
    valid = eidx < jnp.take(bnd, ws + 1)
    ec = jnp.clip(eidx, 0, EE - 1)
    row_p = jnp.where(valid, jnp.take(row_s, ec), 0)
    colg_p = jnp.where(valid, jnp.take(col_s, ec), 0)
    w_p = jnp.where(valid, jnp.take(w_s, ec), 0.0)
    coll_p = jnp.where(valid, colg_p - ws * RPW, 0)
    prm = jnp.zeros((NW, 16), jnp.int32)
    prm = prm.at[:, 0].set(off[:-1]).at[:, 1].set(nch)
    return row_p, colg_p, coll_p, w_p, prm.reshape(NW, 1, 16)


def _cheb_layer(h, fp, k_order, rows3d, coll_p, norm_p, prm):
    first = _prop_kernel(fp, 1.0, False)
    rec = _prop_kernel(fp, 2.0, True)
    txs = [h]
    if k_order > 1:
        txs.append(first(h, rows3d, coll_p, norm_p, prm))
    for _ in range(2, k_order):
        txs.append(rec(txs[-1], rows3d, coll_p, norm_p, prm, txs[-2]))
    return jnp.stack(txs)


def kernel(x, edge_index, weight, W1, b1, W2, b2, W3, b3, W4):
    row = edge_index[0]
    col = edge_index[1]
    row_p, colg_p, coll_p, w_p, prm = _edge_layout(row, col, weight)
    rows3d = row_p.reshape(EP // 128, 1, 128)

    wm = jnp.where(row == col, jnp.zeros_like(weight), weight)
    deg = jnp.zeros((NN,), weight.dtype).at[row].add(wm)
    dis = jnp.where(deg > 0, lax.rsqrt(jnp.maximum(deg, 1e-12)), 0.0)
    disp = jnp.pad(dis, (0, NP - NN))
    norm_p = _norm_kernel()(row_p, colg_p, w_p, disp)

    xp = jnp.pad(x, ((0, NP - NN), (0, 0)))
    s1 = _cheb_layer(xp, 128, W1.shape[0], rows3d, coll_p, norm_p, prm)
    w1s = jnp.pad(W1, ((0, 0), (0, 0), (0, 2)))
    h1 = jax.nn.silu(_tc_cheb(s1, w1s, 256) + jnp.pad(b1, (0, 2)))

    s2 = _cheb_layer(h1, 16, W2.shape[0], rows3d, coll_p, norm_p, prm)
    w2s = jnp.pad(W2, ((0, 0), (0, 2), (0, 12)))
    h2 = jax.nn.silu(_tc_cheb(s2, w2s, 1024) + jnp.pad(b2, (0, 12)))

    s3 = _cheb_layer(h2, 32, W3.shape[0], rows3d, coll_p, norm_p, prm)
    w3s = jnp.pad(W3, ((0, 0), (0, 12), (0, 5)))
    h3 = jax.nn.silu(_tc_cheb(s3, w3s, 512) + jnp.pad(b3, (0, 5)))

    w4s = jnp.pad(W4, ((0, 0), (0, 5), (0, 0)))
    out = jax.nn.sigmoid(_tc_cheb(h3[None], w4s, 1024))
    return out[:NN]

# --- scband reference (transcript-rebuilt; emitter-appended) ---
"""Pipeline reference for scband-cheb-net-15444702396429 (READ-ONLY COPY).

The authoritative reference and input builder live on the scoring server;
editing this copy changes nothing except your own understanding.
"""

import jax, jax.numpy as jnp
import numpy as np

N = 10000
E = 160000
D_IN = 128
D_OUT = 64
LAYERS = [(D_IN, 14, 39, True), (14, 20, 43, True), (20, 27, 45, True), (27, D_OUT, 1, False)]


def setup_inputs(seed: int = 0):
    key = jax.random.key(seed)
    ks = jax.random.split(key, 16)
    inp = {}
    inp['x'] = jax.random.normal(ks[0], (N, D_IN), dtype=jnp.float32)
    inp['edge_index'] = jax.random.randint(ks[1], (2, E), 0, N, dtype=jnp.int32)
    inp['weight'] = jax.random.uniform(ks[2], (E,), dtype=jnp.float32)
    for i, (fi, fo, K, bias) in enumerate(LAYERS):
        scale = float(np.sqrt(1.0 / (fi * K)))
        inp['W%d' % (i + 1)] = jax.random.normal(ks[3 + i], (K, fi, fo), dtype=jnp.float32) * scale
        if bias:
            inp['b%d' % (i + 1)] = jnp.zeros((fo,), dtype=jnp.float32)
    return inp


def cheb_norm(row, col, w, num_nodes, lambda_max=2.0):
    # remove_self_loops (mask to zero is equivalent for L)
    w = jnp.where(row == col, jnp.zeros_like(w), w)
    deg = jnp.zeros((num_nodes,), dtype=w.dtype).at[row].add(w)
    deg_inv_sqrt = jnp.where(deg > 0, jax.lax.rsqrt(jnp.maximum(deg, 1e-12)), 0.0)
    # get_laplacian(sym): L = I - D^-1/2 A D^-1/2; then scale 2/lambda_max and subtract I
    norm = -(deg_inv_sqrt[row] * w * deg_inv_sqrt[col]) * (2.0 / lambda_max)
    diag = 2.0 / lambda_max - 1.0
    return norm, diag


def prop(norm, t, row, col, diag):
    # message: x_j * norm; aggregate sum at target (edge_index[1]); plus (scaled) diagonal
    return jnp.zeros_like(t).at[col].add(norm[:, None] * t[row]) + diag * t


def cheb_conv(x, row, col, norm, diag, W, b):
    K = W.shape[0]
    Tx0 = x
    out = Tx0 @ W[0]
    if K > 1:
        Tx1 = prop(norm, Tx0, row, col, diag)
        out = out + Tx1 @ W[1]
        for k in range(2, K):
            Tx2 = 2.0 * prop(norm, Tx1, row, col, diag) - Tx0
            out = out + Tx2 @ W[k]
            Tx0, Tx1 = Tx1, Tx2
    if b is not None:
        out = out + b
    return out


def reference(x, edge_index, weight, W1, b1, W2, b2, W3, b3, W4):
    row = edge_index[0]
    col = edge_index[1]
    norm, diag = cheb_norm(row, col, weight, x.shape[0])
    h = jax.nn.silu(cheb_conv(x, row, col, norm, diag, W1, b1))
    h = jax.nn.silu(cheb_conv(h, row, col, norm, diag, W2, b2))
    h = jax.nn.silu(cheb_conv(h, row, col, norm, diag, W3, b3))
    h = cheb_conv(h, row, col, norm, diag, W4, None)
    return jax.nn.sigmoid(h)

if __name__ == "__main__":
    import jax
    _d = setup_inputs()
    print(jax.jit(kernel)(*tuple(_d.values())))

</pallas_src>

<mosaic_0001>
#map = affine_map<(d0, d1) -> (0)>
module attributes {stable_mosaic.version = 14 : i64} {
  func.func @_norm_body(%arg0: i32, %arg1: i32, %arg2: memref<193024xi32, #tpu.memory_space<hbm>>, %arg3: memref<193024xi32, #tpu.memory_space<hbm>>, %arg4: memref<193024xf32, #tpu.memory_space<hbm>>, %arg5: memref<10240xf32, #tpu.memory_space<hbm>>, %arg6: memref<193024xf32, #tpu.memory_space<hbm>>, %arg7: memref<6032xi32, #tpu.memory_space<vmem>>, %arg8: memref<6032xi32, #tpu.memory_space<vmem>>, %arg9: memref<6032xf32, #tpu.memory_space<vmem>>, %arg10: memref<10240xf32, #tpu.memory_space<vmem>>, %arg11: memref<6032xf32, #tpu.memory_space<vmem>>) attributes {dimension_semantics = [#tpu.dimension_semantics<core_parallel>, #tpu.dimension_semantics<subcore_parallel>], iteration_bounds = array<i64: 2, 16>, scalar_prefetch = 0 : i64, scratch_operands = 5 : i64, tpu.core_type = #tpu.core_type<sc_vector_subcore>, window_params = [{transform_indices = #map}, {transform_indices = #map}, {transform_indices = #map}, {transform_indices = #map}, {transform_indices = #map}]} {
    %mul3A = arith.constant 2 : i32
    %mul3A_0 = arith.muli %arg1, %mul3A : i32
    %add3A = arith.addi %mul3A_0, %arg0 : i32
    %mul3A_1 = arith.constant 6032 : i32
    %mul3A_2 = arith.muli %add3A, %mul3A_1 : i32
    "tpu.region"() ({
      %run_scoped3A = tpu.sem_alloc : memref<!tpu.dma_semaphore, #tpu.memory_space<semaphore_mem>>
      %dma_start3A = tpu.memref_slice %arg2[%mul3A_2] : memref<193024xi32, #tpu.memory_space<hbm>> -> memref<6032xi32, #tpu.memory_space<hbm>>
      %dma_start3A_9 = tpu.memref_slice %arg2[%mul3A_2] : memref<193024xi32, #tpu.memory_space<hbm>> -> memref<6032xi32, #tpu.memory_space<hbm>>
      tpu.enqueue_dma source(%dma_start3A_9 : memref<6032xi32, #tpu.memory_space<hbm>>) target(%arg7 : memref<6032xi32, #tpu.memory_space<vmem>>) target_semaphore(%run_scoped3A : memref<!tpu.dma_semaphore, #tpu.memory_space<semaphore_mem>>)
      %dma_wait3A = tpu.memref_slice %arg2[%mul3A_2] : memref<193024xi32, #tpu.memory_space<hbm>> -> memref<6032xi32, #tpu.memory_space<hbm>>
      %dma_wait3A_10 = tpu.memref_slice %arg2[%mul3A_2] : memref<193024xi32, #tpu.memory_space<hbm>> -> memref<6032xi32, #tpu.memory_space<hbm>>
      tpu.wait_dma2 semaphore(%run_scoped3A : memref<!tpu.dma_semaphore, #tpu.memory_space<semaphore_mem>>) src(%dma_wait3A_10 : memref<6032xi32, #tpu.memory_space<hbm>>) dst(%arg7 : memref<6032xi32, #tpu.memory_space<vmem>>)
      tpu.yield
    }) : () -> ()
    "tpu.region"() ({
      %run_scoped3A = tpu.sem_alloc : memref<!tpu.dma_semaphore, #tpu.memory_space<semaphore_mem>>
      %dma_start3A = tpu.memref_slice %arg3[%mul3A_2] : memref<193024xi32, #tpu.memory_space<hbm>> -> memref<6032xi32, #tpu.memory_space<hbm>>
      %dma_start3A_9 = tpu.memref_slice %arg3[%mul3A_2] : memref<193024xi32, #tpu.memory_space<hbm>> -> memref<6032xi32, #tpu.memory_space<hbm>>
      tpu.enqueue_dma source(%dma_start3A_9 : memref<6032xi32, #tpu.memory_space<hbm>>) target(%arg8 : memref<6032xi32, #tpu.memory_space<vmem>>) target_semaphore(%run_scoped3A : memref<!tpu.dma_semaphore, #tpu.memory_space<semaphore_mem>>)
      %dma_wait3A = tpu.memref_slice %arg3[%mul3A_2] : memref<193024xi32, #tpu.memory_space<hbm>> -> memref<6032xi32, #tpu.memory_space<hbm>>
      %dma_wait3A_10 = tpu.memref_slice %arg3[%mul3A_2] : memref<193024xi32, #tpu.memory_space<hbm>> -> memref<6032xi32, #tpu.memory_space<hbm>>
      tpu.wait_dma2 semaphore(%run_scoped3A : memref<!tpu.dma_semaphore, #tpu.memory_space<semaphore_mem>>) src(%dma_wait3A_10 : memref<6032xi32, #tpu.memory_space<hbm>>) dst(%arg8 : memref<6032xi32, #tpu.memory_space<vmem>>)
      tpu.yield
    }) : () -> ()
    "tpu.region"() ({
      %run_scoped3A = tpu.sem_alloc : memref<!tpu.dma_semaphore, #tpu.memory_space<semaphore_mem>>
      %dma_start3A = tpu.memref_slice %arg4[%mul3A_2] : memref<193024xf32, #tpu.memory_space<hbm>> -> memref<6032xf32, #tpu.memory_space<hbm>>
      %dma_start3A_9 = tpu.memref_slice %arg4[%mul3A_2] : memref<193024xf32, #tpu.memory_space<hbm>> -> memref<6032xf32, #tpu.memory_space<hbm>>
      tpu.enqueue_dma source(%dma_start3A_9 : memref<6032xf32, #tpu.memory_space<hbm>>) target(%arg9 : memref<6032xf32, #tpu.memory_space<vmem>>) target_semaphore(%run_scoped3A : memref<!tpu.dma_semaphore, #tpu.memory_space<semaphore_mem>>)
      %dma_wait3A = tpu.memref_slice %arg4[%mul3A_2] : memref<193024xf32, #tpu.memory_space<hbm>> -> memref<6032xf32, #tpu.memory_space<hbm>>
      %dma_wait3A_10 = tpu.memref_slice %arg4[%mul3A_2] : memref<193024xf32, #tpu.memory_space<hbm>> -> memref<6032xf32, #tpu.memory_space<hbm>>
      tpu.wait_dma2 semaphore(%run_scoped3A : memref<!tpu.dma_semaphore, #tpu.memory_space<semaphore_mem>>) src(%dma_wait3A_10 : memref<6032xf32, #tpu.memory_space<hbm>>) dst(%arg9 : memref<6032xf32, #tpu.memory_space<vmem>>)
      tpu.yield
    }) : () -> ()
    "tpu.region"() ({
      %run_scoped3A = tpu.sem_alloc : memref<!tpu.dma_semaphore, #tpu.memory_space<semaphore_mem>>
      tpu.enqueue_dma source(%arg5 : memref<10240xf32, #tpu.memory_space<hbm>>) target(%arg10 : memref<10240xf32, #tpu.memory_space<vmem>>) target_semaphore(%run_scoped3A : memref<!tpu.dma_semaphore, #tpu.memory_space<semaphore_mem>>)
      tpu.wait_dma2 semaphore(%run_scoped3A : memref<!tpu.dma_semaphore, #tpu.memory_space<semaphore_mem>>) src(%arg5 : memref<10240xf32, #tpu.memory_space<hbm>>) dst(%arg10 : memref<10240xf32, #tpu.memory_space<vmem>>)
      tpu.yield
    }) : () -> ()
    %scan3A = arith.constant 0 : i32
    %scan3A_3 = arith.constant 0 : i32
    %scan3A_4 = arith.constant 377 : i32
    %scan3A_5 = arith.addi %scan3A_3, %scan3A_4 : i32
    %scan3A_6 = arith.constant 1 : i32
    %scan3A_7 = scf.for %scan3A_9 = %scan3A_3 to %scan3A_5 step %scan3A_6 iter_args(%scan3A_10 = %scan3A) -> (i32)  : i32 {
      %mul3A_11 = arith.constant 16 : i32
      %mul3A_12 = arith.muli %scan3A_9, %mul3A_11 : i32
      %get3A = arith.index_cast %mul3A_12 : i32 to index
      %get3A_13 = tpu.vector_load %arg7[%get3A] {strides = array<i32>} : memref<6032xi32, #tpu.memory_space<vmem>>, vector<16xi32>,
      %mul3A_14 = arith.constant 16 : i32
      %mul3A_15 = arith.muli %scan3A_9, %mul3A_14 : i32
      %get3A_16 = arith.index_cast %mul3A_15 : i32 to index
      %get3A_17 = tpu.vector_load %arg8[%get3A_16] {strides = array<i32>} : memref<6032xi32, #tpu.memory_space<vmem>>, vector<16xi32>,
      %mul3A_18 = arith.constant 16 : i32
      %mul3A_19 = arith.muli %scan3A_9, %mul3A_18 : i32
      %get3A_20 = arith.index_cast %mul3A_19 : i32 to index
      %get3A_21 = tpu.vector_load %arg9[%get3A_20] {strides = array<i32>} : memref<6032xf32, #tpu.memory_space<vmem>>, vector<16xf32>,
      %eq3A = arith.cmpi eq, %get3A_13, %get3A_17 : vector<16xi32>
      %jit3A = arith.constant 0.000000e+00 : f32
      %broadcast_in_dim3A = vector.broadcast %jit3A : f32 to vector<16xf32>
      %select_n3A = arith.select %eq3A, %broadcast_in_dim3A, %get3A_21 : vector<16xi1>, vector<16xf32>
      %gather3A = tpu.vector_load_idx %arg10[%get3A_13] : memref<10240xf32, #tpu.memory_space<vmem>>[vector<16xi32>], vector<16xf32>,
      %gather3A_22 = tpu.vector_load_idx %arg10[%get3A_17] : memref<10240xf32, #tpu.memory_space<vmem>>[vector<16xi32>], vector<16xf32>,
      %mul3A_23 = arith.mulf %gather3A, %select_n3A : vector<16xf32>
      %mul3A_24 = arith.mulf %mul3A_23, %gather3A_22 : vector<16xf32>
      %neg3A = arith.constant 0.000000e+00 : f32
      %neg3A_25 = vector.broadcast %neg3A : f32 to vector<16xf32>
      %neg3A_26 = arith.subf %neg3A_25, %mul3A_24 : vector<16xf32>
      %mul3A_27 = arith.constant 16 : i32
      %mul3A_28 = arith.muli %scan3A_9, %mul3A_27 : i32
      %swap3A = arith.index_cast %mul3A_28 : i32 to index
      %swap3A_29 = tpu.vector_load %arg11[%swap3A] {strides = array<i32>} : memref<6032xf32, #tpu.memory_space<vmem>>, vector<16xf32>,
      tpu.vector_store %arg11[%swap3A], %neg3A_26 {strides = array<i32>} : memref<6032xf32, #tpu.memory_space<vmem>>, vector<16xf32>,
      %scan3A_30 = arith.constant 0 : i32
      scf.yield %scan3A_30 : i32
    }
    %scan3A_8 = arith.constant 377 : i32
    "tpu.region"() ({
      %run_scoped3A = tpu.sem_alloc : memref<!tpu.dma_semaphore, #tpu.memory_space<semaphore_mem>>
      %dma_start3A = tpu.memref_slice %arg6[%mul3A_2] : memref<193024xf32, #tpu.memory_space<hbm>> -> memref<6032xf32, #tpu.memory_space<hbm>>
      %dma_start3A_9 = tpu.memref_slice %arg6[%mul3A_2] : memref<193024xf32, #tpu.memory_space<hbm>> -> memref<6032xf32, #tpu.memory_space<hbm>>
      tpu.enqueue_dma source(%arg11 : memref<6032xf32, #tpu.memory_space<vmem>>) target(%dma_start3A_9 : memref<6032xf32, #tpu.memory_space<hbm>>) target_semaphore(%run_scoped3A : memref<!tpu.dma_semaphore, #tpu.memory_space<semaphore_mem>>)
      %dma_wait3A = tpu.memref_slice %arg6[%mul3A_2] : memref<193024xf32, #tpu.memory_space<hbm>> -> memref<6032xf32, #tpu.memory_space<hbm>>
      %dma_wait3A_10 = tpu.memref_slice %arg6[%mul3A_2] : memref<193024xf32, #tpu.memory_space<hbm>> -> memref<6032xf32, #tpu.memory_space<hbm>>
      tpu.wait_dma2 semaphore(%run_scoped3A : memref<!tpu.dma_semaphore, #tpu.memory_space<semaphore_mem>>) src(%arg11 : memref<6032xf32, #tpu.memory_space<vmem>>) dst(%dma_wait3A_10 : memref<6032xf32, #tpu.memory_space<hbm>>)
      tpu.yield
    }) : () -> ()
    return
  }
}

</mosaic_0001>

<sc_bundles>
// kernel: wrapper.3.cloned.1.call-start
scs
__scs_entry_jumppad:
0x0: {  	(pc) =	sbr.rel $0x88, $3  }
0x1: {  	(tag) =	ssettag $0x0;
	lr =	simm.s32 $0x1  }
0x2: {  	[smem:$0x3F9D] =	sst lr;
	_ =	strace $0xD0000000  }
0x3: {  	_ = 	snop  }
0x4: {  	_ = 	snop  }
0x5: {  	_ = 	snop  }
0x6: {  	_ = 	snop  }
0x7: {  	_ = 	snop  }
__scs_overlays_trampoline_lowered:
0x8: {  	[smem:$0x3FAC] =	sst s0  }
0x9: {  	[smem:$0x3FAD] =	sst s1  }
0xa: {  	[smem:$0x3FAE] =	sst s2  }
0xb: {  	[smem:$0x3FAF] =	sst s3  }
0xc: {  	[smem:$0x3FB0] =	sst s4  }
0xd: {  	[smem:$0x3FB1] =	sst s5  }
0xe: {  	[smem:$0x3FB2] =	sst s6  }
0xf: {  	[smem:$0x3FB3] =	sst s7  }
0x10: {  	[smem:$0x3FB4] =	sst s8  }
0x11: {  	[smem:$0x3FB5] =	sst s9;
	s0 =	simm.s32 @!p0 $0x0  }
0x12: {  	s1 =	sld [smem:$0x3F9B];
	s0 =	simm.s32 @p0 $0x1  }
0x13: {  	[smem:$0x3FB6] =	sst s0;
	s0 =	simm.s32 @!p1 $0x0  }
0x14: {  	s2 =	sld [smem:$0x3F9A];
	s0 =	simm.s32 @p1 $0x1  }
0x15: {  	[smem:$0x3FB7] =	sst s0;
	s0 =	simm.s32 @!p2 $0x0  }
0x16: {  	s3 =	sld [smem:$0x3FDB];
	s0 =	simm.s32 @p2 $0x1  }
0x17: {  	s4 =	simm.s32 $0x1BF5;
	[smem:$0x3FB9] =	sst s0  }
0x18: {  	s0 =	sld [smem:$0x3F9C];
	_ =	swait.ge [sflag:s4], $0x0  }
0x19: {  	s7 =	sld [smem:$0x3F9D]  }
0x1a: {  	s8 =	sadd.s32 $0xFFFFE003, lr  }
0x1b: {  	s9 =	sadd.s32 $0xFFFFFEF7, lr;
	s5 =	simm.s32 $0xFFFFFFFF;
	p2 =	slt.u32 s8, $0xFFFFF086  }
0x1c: {  	p1 =	slt.u32 s9, $0xF7A;
	s5 =	simm.s32 @!p2 $0x0  }
0x1d: {  	s5 =	simm.s32 @p1 $0x1;
	p0 =	seq.s32 s7, s2  }
0x1e: {  	s7 =	smul.u32 @!p0 $0xF7A, s2;
	p2 =	seq.s32 @!p0 s5, $0x0  }
0x1f: {  	s9 =	smul.u32 $0xF7A, s1;
	s8 =	simm.s32 @!p0 $0x1BF5;
	p2 =	por !p2, p0  }
0x20: {  	[sflag:s8] =	ssyncset.s32 @!p0 $0xFFFFF086;
	s6 =	sadd.s32 @!p0 s3, s7;
	s7 =	simm.s32 @!p0 $0x108  }
0x21: {  	s3 =	sadd.s32 s3, s9;
	s6 =	sadd.s32 @!p0 $0x88, s6;
	s7 =	simm.s32 @p2 $0x1082  }
0x22: {  	[simem:s7], [sflag:s8] =	dma.local @!p0 [hbm:s6], $0xF7A  }
0x23: {  	s9 =	sor.u32 $0xD0000000, s2;
	s6 =	simm.s32 $0x108;
	_ =	swait.ge @!p0 [sflag:s8], $0x0  }
0x24: {  	s3 =	sadd.s32 $0x88, s3;
	s6 =	simm.s32 @!p1 $0x1082;
	[sflag:s4] =	ssyncset.s32 $0xFFFFF086  }
0x25: {  	[simem:s6], [sflag:s4] =	dma.local [hbm:s3], $0xF7A  }
0x26: {  	[smem:$0x3F9D] =	sst s1;
	(tag) =	ssettag s2;
	_ =	strace s9  }
0x27: {  	s1 =	sld [smem:$0x3FAD]  }
0x28: {  	s2 =	sld [smem:$0x3FAE]  }
0x29: {  	s4 =	sld [smem:$0x3FB0]  }
0x2a: {  	p0 =	seq.s32 s5, $0x0;
	s5 =	sld [smem:$0x3FB1]  }
0x2b: {  	s6 =	sld [smem:$0x3FB2]  }
0x2c: {  	s7 =	sld [smem:$0x3FB3]  }
0x2d: {  	s3 =	simm.s32 $0x108;
	s8 =	sld [smem:$0x3FB4]  }
0x2e: {  	s3 =	simm.s32 @!p0 $0x1082;
	s9 =	sld [smem:$0x3FB5]  }
0x2f: {  	lr =	sadd.s32 s0, s3;
	s0 =	sld [smem:$0x3FAC]  }
0x30: {  	s3 =	sld [smem:$0x3FAF]  }
0x31: {  	[smem:$0x3FB8] =	sst s10  }
0x32: {  	s10 =	sld [smem:$0x3FB6];
	_ =	sdelay $0x3  }
0x33: {  	p0 =	seq.s32 s10, $0x1;
	s10 =	sld [smem:$0x3FB8];
	_ =	sdelay $0x3  }
0x34: {  	[smem:$0x3FB8] =	sst s10  }
0x35: {  	s10 =	sld [smem:$0x3FB7];
	_ =	sdelay $0x3  }
0x36: {  	p1 =	seq.s32 s10, $0x1;
	s10 =	sld [smem:$0x3FB8];
	_ =	sdelay $0x3  }
0x37: {  	[smem:$0x3FB8] =	sst s10  }
0x38: {  	s10 =	sld [smem:$0x3FB9]  }
0x39: {  	_ = 	snop;
	(pc) =	sbr.ind lr, $3  }
0x3a: {  	_ = 	snop  }
0x3b: {  	_ = 	snop  }
0x3c: {  	p2 =	seq.s32 s10, $0x1;
	s10 =	sld [smem:$0x3FB8]  }
0x3d: {  	_ =	shalt  }
0x3e: {  	_ =	shalt  }
0x3f: {  	_ =	shalt  }
0x40: {  	_ =	shalt  }
0x41: {  	_ =	shalt  }
0x42: {  	_ =	shalt  }
0x43: {  	_ =	shalt  }
0x44: {  	_ =	shalt  }
0x45: {  	_ =	shalt  }
0x46: {  	_ =	shalt  }
0x47: {  	_ =	shalt  }
0x48: {  	_ =	shalt  }
0x49: {  	_ =	shalt  }
0x4a: {  	_ =	shalt  }
0x4b: {  	_ =	shalt  }
0x4c: {  	_ =	shalt  }
0x4d: {  	_ =	shalt  }
0x4e: {  	_ =	shalt  }
0x4f: {  	_ =	shalt  }
0x50: {  	_ =	shalt  }
0x51: {  	_ =	shalt  }
0x52: {  	_ =	shalt  }
0x53: {  	_ =	shalt  }
0x54: {  	_ =	shalt  }
0x55: {  	_ =	shalt  }
0x56: {  	_ =	shalt  }
0x57: {  	_ =	shalt  }
0x58: {  	_ =	shalt  }
0x59: {  	_ =	shalt  }
0x5a: {  	_ =	shalt  }
0x5b: {  	_ =	shalt  }
0x5c: {  	_ =	shalt  }
0x5d: {  	_ =	shalt  }
0x5e: {  	_ =	shalt  }
0x5f: {  	_ =	shalt  }
0x60: {  	_ =	shalt  }
0x61: {  	_ =	shalt  }
0x62: {  	_ =	shalt  }
0x63: {  	_ =	shalt  }
0x64: {  	_ =	shalt  }
0x65: {  	_ =	shalt  }
0x66: {  	_ =	shalt  }
0x67: {  	_ =	shalt  }
0x68: {  	_ =	shalt  }
0x69: {  	_ =	shalt  }
0x6a: {  	_ =	shalt  }
0x6b: {  	_ =	shalt  }
0x6c: {  	_ =	shalt  }
0x6d: {  	_ =	shalt  }
0x6e: {  	_ =	shalt  }
0x6f: {  	_ =	shalt  }
0x70: {  	_ =	shalt  }
0x71: {  	_ =	shalt  }
0x72: {  	_ =	shalt  }
0x73: {  	_ =	shalt  }
0x74: {  	_ =	shalt  }
0x75: {  	_ =	shalt  }
0x76: {  	_ =	shalt  }
0x77: {  	_ =	shalt  }
0x78: {  	_ =	shalt  }
0x79: {  	_ =	shalt  }
0x7a: {  	_ =	shalt  }
0x7b: {  	_ =	shalt  }
0x7c: {  	_ =	shalt  }
0x7d: {  	_ =	shalt  }
0x7e: {  	_ =	shalt  }
0x7f: {  	_ =	shalt  }
0x80: {  	_ =	shalt  }
0x81: {  	_ =	shalt  }
0x82: {  	_ =	shalt  }
0x83: {  	_ =	shalt  }
0x84: {  	_ =	shalt  }
0x85: {  	_ =	shalt  }
0x86: {  	_ =	shalt  }
0x87: {  	_ =	shalt  }
.Lfunc_end0:
.L_simem_size_0:
called_computation_lowered:
.L_overlay_start_0:
0x88: {  	s2 =	sld [smem:$0x3FD9]  }
0x89: {  	s3 =	sld [smem:$0x3FFE];
	_ =	sdelay $0x1  }
0x8a: {  	s1 =	srdreg.scid  }
0x8b: {  	s0 =	sand.u32 $0x1, s1  }
0x8c: {  	s18 =	sshll.u32 s0, $0xA;
	s2 =	sadd.s32 s3, s2  }
0x8d: {  	s2 =	sadd.s32 s2, s18  }
0x8e: {  	[smem:$0x3FC4] =	sst s2  }
0x8f: {  	_ = 	snop  }
0x90: {  	s2 =	sld [smem:$0x3FC9]  }
0x91: {  	s19 =	sld [smem:$0x3FC8]  }
0x92: {  	s4 =	sld [smem:$0x3FC7]  }
0x93: {  	s5 =	sld [smem:$0x3FC6]  }
0x94: {  	s6 =	sld [smem:$0x3FD0];
	(tm) =	ssettm $0x1  }
0x95: {  	s7 =	sld [smem:$0x3FFB];
	_ =	sdelay $0x3  }
0x96: {  	_ =	strace s7  }
0x97: {  	s7 =	sld [smem:$0x3FFC];
	_ =	sdelay $0x3  }
0x98: {  	_ =	strace s7  }
0x99: {  	s7 =	sld [smem:$0x3FFD];
	_ =	sdelay $0x3  }
0x9a: {  	_ =	strace s7  }
0x9b: {  	_ =	strace $0x8FFFFFFF  }
0x9c: {  	s20 =	sld [smem:$0x3FDB];
	_ =	sdelay $0x1  }
0x9d: {  	s8 =	simm.s32 $_scs_section_size  }
0x9e: {  	s9 =	simm.s32 $_size__tile_overlayer_lowered;
	s10 =	simm.s32 $_tile_overlayer_lowered  }
0x9f: {  	s23 =	simm.s32 $0x1BFF;
	s22 =	sshll.u32 s10, $0x1;
	s7 =	sadd.s32 s8, s20  }
0xa0: {  	s11 =	simm.s32 $0x0;
	s21 =	sshll.u32 s9, $0x1;
	s9 =	sadd.s32 s22, s7  }
0xa1: {  	[timem:s11], [sflag:s23] =	dma.local [hbm:s9], s21  }
0xa2: {  	_ =	swait.ge [sflag:s23], s21  }
0xa3: {  	s8 =	ssub.s32 $0x0, s21;
	[sflag:s23] =	ssyncset.done $0x0  }
0xa4: {  	[sflag:s23] =	ssyncadd.s32 s8;
	_ =	sdelay $0x1  }
0xa5: {  	s24 =	simm.s32 $0x1B8B  }
0xa6: {  	_ =	swait.ge [sflag:s24], $0x1  }
0xa7: {  	[sflag:s24] =	ssyncset.done $0x0  }
0xa8: {  	s25 =	simm.s32 $0x1B8E;
	[sflag:s24] =	ssyncadd.s32 $0xFFFFFFFF  }
0xa9: {  	s26 =	simm.s32 $execute0_lowered;
	[smem:$0x3FD2] =	sst s25  }
0xaa: {  	s8 =	sshll.u32 s26, $0x1;
	_ =	strace $0x80000046;
	[dreg:$0x1] =	wrdreg $0xFFFFFFFF  }
0xab: {  	s28 =	simm.s32 $_size_execute0_lowered;
	s7 =	sadd.s32 s7, s8;
	[dreg:$0x0] =	wrdreg $0x0  }
0xac: {  	s8 =	sshll.u32 s28, $0x1;
	[dreg:$0x2] =	wrdreg s7  }
0xad: {  	[dreg:$0x3] =	wrdreg s8  }
0xae: {  	[dreg:$0x4] =	wrdreg $0xC0  }
0xaf: {  	_ =	task [dreg:s11], $0x5FFFF  }
0xb0: {  	[dreg:$0x1] =	wrdreg $0xFFFFFFFF  }
0xb1: {  	[dreg:$0x0] =	wrdreg $0x60  }
0xb2: {  	[dreg:$0x2] =	wrdreg s2  }
0xb3: {  	[dreg:$0x3] =	wrdreg s19  }
0xb4: {  	[dreg:$0x4] =	wrdreg s4  }
0xb5: {  	[dreg:$0x5] =	wrdreg s5  }
0xb6: {  	[dreg:$0x6] =	wrdreg s6  }
0xb7: {  	[dreg:$0x7] =	wrdreg $0x9  }
0xb8: {  	_ =	task.clear_ibuf [dreg:s11], $0x8FFFF;
	_ =	strace $0x90000046  }
0xb9: {  	s29 =	simm.s32 $0x9;
	_ =	strace $0x80000048  }
0xba: {  	_ =	swait.ge [sflag:s29], $0x1  }
0xbb: {  	[sflag:s29] =	ssyncadd.s32 $0xFFFFFFFF  }
0xbc: {  	_ =	strace $0x90000048  }
0xbd: {  	_ =	sfence  }
0xbe: {  	s30 =	sld [smem:$0x0];
	_ =	sdelay $0x2  }
0xbf: {  	s31 =	sshll.u32 s1, $0xD;
	s1 =	sshrl.u32 s1, $0x2  }
0xc0: {  	s3 =	sand.u32 $0x4000, s31;
	s1 =	sadd.s32 s1, s30  }
0xc1: {  	s0 =	sor.u32 s3, s0;
	s1 =	sshll.u32 s1, $0x11  }
0xc2: {  	s0 =	sor.u32 s1, s0  }
0xc3: {  	s0 =	sadd.s32 $0x8F2B, s0  }
0xc4: {  	[sflag:s0] =	ssyncadd.remote.s32 $0x1  }
0xc5: {  	_ =	sfence.sel $0xFFFF  }
0xc6: {  	[dreg:$0x0] =	wrdreg $0xFFFFFFFF;
	(pc) =	sbr.abs _section_cstart, $3  }
0xc7: {  	[dreg:$0x1] =	wrdreg $0xFFFFFFFF  }
0xc8: {  	_ =	task.clear_ibuf [dreg:s11], $0x2FFFF;
	_ =	strace $0x9FFFFFFF  }
0xc9: {  	(tm) =	ssettm $0x7FFFFFFF  }
tec
execute0_lowered:
.L_overlay_start_1:
0x0: {  	(tag) =	ssettag $0x1  }
0x1: {  	s4 =	rddreg [dreg:$0x0]  }
0x2: {  	s5 =	rddreg [dreg:$0x1]  }
0x3: {  	s6 =	rddreg [dreg:$0x2]  }
0x4: {  	s2 =	rddreg [dreg:$0x3];
	s1 =	srdreg.scid  }
0x5: {  	s0 =	stileid.u32;
	s7 =	rddreg [dreg:$0x4];
	s3 =	simm.s32 $0x0  }
0x6: {  	s11 =	simm.s32 $0x2F20;
	s12 =	simm.s32 $0x46B0;
	s13 =	simm.s32 $0x6EB0  }
0x7: {  	s14 =	simm.s32 $0x0;
	s8 =	sand.u32 $0x1, s1;
	s9 =	sshll.u32 s0, $0x1  }
0x8: {  	s1 =	rddreg [dreg:$0x5];
	s9 =	sor.u32 s8, s9;
	s8 =	ssub.s32 $0x2, s8  }
0x9: {  	[smem:$0x7FF] =	sst s3;
	s9 =	smul.u32 $0x2F2, s9;
	s10 =	sshrl.u32 s8, $0x1  }
0xa: {  	_ =	strace $0x80000047;
	s8 =	ssub.s32 s8, s10;
	s10 =	simm.s32 $0x1790  }
0xb: {  	s4 =	sadd.s32 s4, s9;
	s5 =	sadd.s32 s5, s9;
	s6 =	sadd.s32 s6, s9  }
0xc: {  	s7 =	sadd.s32 s7, s9;
	s8 =	smax.u32 s8, $0x1;
	s9 =	simm.s32 $0x1  }
.LBB2_1:
0xd: {  	[tilespmem:s3], [sflag:$0x1] =	stream.linear.gather [hbm4b:s4+s3], $0x1790, $0x38;
	[tilespmem:$0x8640] =	vst v63  }
0xe: {  	_ =	swait.ge [sflag:s9], $0x1790  }
0xf: {  	[sflag:s9] =	ssyncset.done $0x0  }
0x10: {  	[sflag:s9] =	ssyncadd.s32 $0xFFFFE870  }
0x11: {  	[tilespmem:s10], [sflag:$0x1] =	stream.linear.gather [hbm4b:s5+s3], $0x1790, $0x38;
	[tilespmem:$0x8640] =	vst v63  }
0x12: {  	_ =	swait.ge [sflag:s9], $0x1790  }
0x13: {  	[sflag:s9] =	ssyncset.done $0x0  }
0x14: {  	[sflag:s9] =	ssyncadd.s32 $0xFFFFE870  }
0x15: {  	[tilespmem:s11], [sflag:$0x1] =	stream.linear.gather [hbm4b:s6+s3], $0x1790, $0x38;
	[tilespmem:$0x8640] =	vst v63  }
0x16: {  	_ =	swait.ge [sflag:s9], $0x1790  }
0x17: {  	[sflag:s9] =	ssyncset.done $0x0  }
0x18: {  	[sflag:s9] =	ssyncadd.s32 $0xFFFFE870  }
0x19: {  	[tilespmem:s12], [sflag:$0x1] =	stream.linear.gather [hbm4b:s2+s3], $0x2800, $0x38;
	[tilespmem:$0x8640] =	vst v63  }
0x1a: {  	_ =	swait.ge [sflag:s9], $0x2800  }
0x1b: {  	[sflag:s9] =	ssyncset.done $0x0  }
0x1c: {  	s15 =	simm.s32 $0x0;
	[sflag:s9] =	ssyncadd.s32 $0xFFFFD800  }
0x1d: {  	v3 =	vld [tilespmem:s15+$0x0];
	_ =	sdelay $0x1  }
0x1e: {  	v4 =	vld [tilespmem:s15+$0x1790];
	_ =	sdelay $0x4  }
0x1f: {  	v0 =	vld [tilespmem:s15+$0x2F20]  }
0x20: {  	v2 =	vld.idx.msk [tilespmem:v3+s12+$0x0], $0xffff;
	_ =	sdelay $0x1  }
0x21: {  	v1 =	vld.idx.msk [tilespmem:v4+s12+$0x0], $0xffff  }
0x22: {  	s16 =	simm.s32 $0x10;
	s17 =	simm.s32 $0x80;
	vm0 =	veq.s32 v3, v4  }
.LBB2_2:
0x23: {  	p0 =	sne.s32 s17, $0x5E00;
	v3 =	vld [tilespmem:s16+$0x0];
	v0 =	vsel vm0, $0x0, v0  }
0x24: {  	v0 =	vmul.f32 v0, v2  }
0x25: {  	v4 =	vld [tilespmem:s16+$0x1790]  }
0x26: {  	v0 =	vmul.f32 v1, v0;
	_ =	sdelay $0x1  }
0x27: {  	v1 =	vsub.f32 $0.0e+00, v0;
	_ =	sdelay $0x1  }
0x28: {  	v0 =	vld [tilespmem:s16+$0x2F20];
	[tilespmem:s15+$0x6EB0] =	vst v1;
	s15 =	smov.u32 s16  }
.Ltmp0:
0x29: {  	v2 =	vld.idx.msk [tilespmem:v3+s12+$0x0], $0xffff;
	(pc) =	sbr.rel @p0 .LBB2_2-.Ltmp0, $3  }
0x2a: {  	_ = 	snop  }
0x2b: {  	v1 =	vld.idx.msk [tilespmem:v4+s12+$0x0], $0xffff;
	_ =	sdelay $0x1  }
0x2c: {  	s16 =	sshra.s32 s17, $0x2;
	s17 =	sadd.s32 $0x40, s17;
	vm0 =	veq.s32 v3, v4  }
0x2d: {  	v3 =	vld [tilespmem:s16+$0x0];
	v0 =	vsel vm0, $0x0, v0  }
0x2e: {  	v0 =	vmul.f32 v0, v2  }
0x2f: {  	v62 =	vld [tilespmem:s16+$0x1790]  }
0x30: {  	v0 =	vmul.f32 v1, v0;
	_ =	sdelay $0x1  }
0x31: {  	v0 =	vsub.f32 $0.0e+00, v0;
	_ =	sdelay $0x1  }
0x32: {  	v63 =	vld [tilespmem:s16+$0x2F20];
	[tilespmem:s15+$0x6EB0] =	vst v0  }
0x33: {  	v0 =	vld.idx.msk [tilespmem:v3+s12+$0x0], $0xffff;
	_ =	sdelay $0x1  }
0x34: {  	v4 =	vld.idx.msk [tilespmem:v62+s12+$0x0], $0xffff  }
0x35: {  	vm15 =	veq.s32 v3, v62  }
0x36: {  	v1 =	vsel vm15, $0x0, v63  }
0x37: {  	v0 =	vmul.f32 v1, v0;
	_ =	sdelay $0x1  }
0x38: {  	v0 =	vmul.f32 v4, v0;
	_ =	sdelay $0x1  }
0x39: {  	s14 =	sadd.s32 $0x1, s14;
	v0 =	vsub.f32 $0.0e+00, v0  }
0x3a: {  	p0 =	sne.s32 s14, s8  }
.Ltmp1:
0x3b: {  	[tilespmem:s16+$0x6EB0] =	vst v0;
	(pc) =	sbr.rel @p0 .LBB2_1-.Ltmp1, $4  }
0x3c: {  	[hbm4b:s7+s3] =	stream.linear.scatter [tilespmem:s13], [sflag:$0x1], $0x1790, $0x38;
	[tilespmem:$0x8640] =	vst v63  }
0x3d: {  	_ =	swait.ge [sflag:s9], $0x1790  }
0x3e: {  	[sflag:s9] =	ssyncset.done $0x0  }
0x3f: {  	[sflag:s9] =	ssyncadd.s32 $0xFFFFE870  }
0x40: {  	_ =	sfence.sel $0x180000  }
0x41: {  	[bflag:$0x0] =	sbarrier.arrive $0xFFFF  }
0x42: {  	p0 =	sne.s32 s0, $0x0;
	_ =	strace $0x90000047  }
0x43: {  	s0 =	sadd.s32 @!p0 $0x100000, s1;
	[bflag:$0x2] =	sbarrier.arrive $0xFFFF  }
0x44: {  	[sflag:s0] =	ssyncadd.tile.s32 @!p0 $0x1;
	_ =	shalt  }
.Lfunc_end2:
_tile_overlayer_lowered:
.L_overlay_start_2:
0x45: {  	(tag) =	ssettag $0x2  }
0x46: {  	s0 =	rddreg [dreg:$0x0];
	s2 =	stileid.u32  }
0x47: {  	s1 =	rddreg [dreg:$0x1];
	p0 =	sne.s32 s2, $0x0  }
0x48: {  	s3 =	rddreg [dreg:$0x2];
	[bflag:$0x3] =	sbarrier.arrive $0xFFFF;
	s2 =	simm.s32 @!p0 $0x1C01  }
0x49: {  	[timem:s3], [sflag:s2] =	dma.local @!p0 [hbm:s0], s1  }
0x4a: {  	s0 =	simm.s32 @!p0 $0x1  }
0x4b: {  	_ =	swait.ge @!p0 [sflag:s0], s1  }
0x4c: {  	s1 =	ssub.s32 @!p0 $0x0, s1;
	[sflag:s0] =	ssyncset.done @!p0 $0x0  }
0x4d: {  	[sflag:s0] =	ssyncadd.s32 @!p0 s1  }
0x4e: {  	[bflag:$0x3] =	sbarrier.arrive $0xFFFF  }
0x4f: {  	_ =	shalt  }

</sc_bundles>
